<compile_context>
chip_gen: v7x
topology: tpu7x:2x2x1
jax: 0.10.2.dev20260603
libtpu: 0.0.44.dev20260713+nightly
codegen_flags: <defaults>
</compile_context>

<pallas_src>
import functools
import math

import jax
import jax.numpy as jnp
from jax import lax
from jax.experimental import pallas as pl
from jax.experimental.pallas import tpu as pltpu
from jax.experimental.pallas import tpu_sc as plsc

NB = 8
D = 128
DA = 144
NC = 2
NS = 16
NW = NC * NS
CHUNK = 80


def _sc_aggregate(xa, src, dst):
    n = xa.shape[0]
    e = src.shape[0]
    per_tile = e // NW
    n_chunks = per_tile // CHUNK
    rows_per_sub = n // NS

    mesh = plsc.VectorSubcoreMesh(
        core_axis_name="c", subcore_axis_name="s", num_cores=NC, num_subcores=NS
    )

    @functools.partial(
        pl.kernel,
        out_type=jax.ShapeDtypeStruct((NC, n, DA), jnp.float32),
        mesh=mesh,
        scratch_types=[
            pltpu.VMEM((CHUNK,), jnp.int32),
            pltpu.VMEM((CHUNK,), jnp.int32),
            pltpu.VMEM((CHUNK, DA), jnp.float32),
            pltpu.VMEM_SHARED((n, DA), jnp.float32),
            pltpu.SemaphoreType.DMA,
        ],
        compiler_params=pltpu.CompilerParams(use_tc_tiling_on_sc=False),
    )
    def sc_agg(xa_hbm, src_hbm, dst_hbm, out_hbm, dst_v, src_v, rows_v, acc_sh, sem):
        c = lax.axis_index("c")
        s = lax.axis_index("s")
        tile = c * NS + s
        row0 = s * rows_per_sub
        pltpu.sync_copy(
            xa_hbm.at[pl.ds(row0, rows_per_sub)], acc_sh.at[pl.ds(row0, rows_per_sub)]
        )
        plsc.subcore_barrier()

        base0 = tile * per_tile

        def body(i, carry):
            base = base0 + i * CHUNK
            pltpu.sync_copy(dst_hbm.at[pl.ds(base, CHUNK)], dst_v)
            pltpu.async_copy(xa_hbm.at[dst_v], rows_v, sem).wait()
            pltpu.sync_copy(src_hbm.at[pl.ds(base, CHUNK)], src_v)
            pltpu.sync_copy(rows_v, acc_sh.at[src_v], add=True)
            return carry

        lax.fori_loop(0, n_chunks, body, 0)
        plsc.subcore_barrier()
        pltpu.sync_copy(
            acc_sh.at[pl.ds(row0, rows_per_sub)],
            out_hbm.at[c, pl.ds(row0, rows_per_sub)],
        )

    return sc_agg(xa, src, dst)


def _tc_transform(s_pair, x, ln_gamma, ln_beta, weights, bias, blk):
    n = x.shape[0]
    centers = [-1.0 + 2.0 * f / (NB - 1) for f in range(NB)]
    sigma = (2.0 / (NB - 1)) / 2.0
    inv_denom = 1.0 / (2.0 * sigma * sigma)

    def body(s0_ref, s1_ref, x_ref, g_ref, b_ref, w_ref, bias_ref, out_ref):
        s0 = s0_ref[...]
        s1 = s1_ref[...]
        xx = x_ref[...]
        agg_sum = s0[:, :D] + s1[:, :D] - xx
        deg = s0[:, D : D + 1] + s1[:, D : D + 1] - 1.0
        agg = agg_sum / deg
        mu = jnp.mean(agg, axis=1, keepdims=True)
        cen = agg - mu
        var = jnp.mean(cen * cen, axis=1, keepdims=True)
        h = cen * lax.rsqrt(var + 1e-5) * g_ref[...] + b_ref[...]
        acc = jnp.zeros((blk, D), jnp.float32)
        for f in range(NB):
            dh = h - centers[f]
            basis = jnp.exp(dh * dh * (-inv_denom))
            acc = acc + jnp.dot(
                basis, w_ref[:, f, :], preferred_element_type=jnp.float32
            )
        out_ref[...] = acc + bias_ref[...]

    grid = n // blk
    return pl.pallas_call(
        body,
        grid=(grid,),
        in_specs=[
            pl.BlockSpec((blk, DA), lambda i: (i, 0)),
            pl.BlockSpec((blk, DA), lambda i: (i, 0)),
            pl.BlockSpec((blk, D), lambda i: (i, 0)),
            pl.BlockSpec((1, D), lambda i: (0, 0)),
            pl.BlockSpec((1, D), lambda i: (0, 0)),
            pl.BlockSpec((D, NB, D), lambda i: (0, 0, 0)),
            pl.BlockSpec((1, D), lambda i: (0, 0)),
        ],
        out_specs=pl.BlockSpec((blk, D), lambda i: (i, 0)),
        out_shape=jax.ShapeDtypeStruct((n, D), jnp.float32),
    )(
        s_pair[0],
        s_pair[1],
        x,
        ln_gamma.reshape(1, D),
        ln_beta.reshape(1, D),
        weights,
        bias.reshape(1, D),
    )


def kernel(x, edge_index, ln_gamma, ln_beta, weights, bias):
    n = x.shape[0]
    src = edge_index[0].astype(jnp.int32)
    dst = edge_index[1].astype(jnp.int32)
    ones_col = jnp.ones((n, 1), jnp.float32)
    pad = jnp.zeros((n, DA - D - 1), jnp.float32)
    xa = jnp.concatenate([x, ones_col, pad], axis=1)
    s_pair = _sc_aggregate(xa, src, dst)
    return _tc_transform(s_pair, x, ln_gamma, ln_beta, weights, bias, blk=1000)

# --- scband reference (transcript-rebuilt; emitter-appended) ---
"""Pipeline reference for scband-graph-kan-47828755808716 (READ-ONLY COPY).

The authoritative reference and input builder live on the scoring server;
editing this copy changes nothing except your own understanding.
"""

import jax, jax.numpy as jnp
import numpy as np
import math

N = 10000
E = 320000
D_IN = 128
D_OUT = 128
NB = 8


def setup_inputs(seed: int = 0) -> dict:
    key = jax.random.key(seed)
    k1, k2, k3 = jax.random.split(key, 3)
    x = jax.random.normal(k1, (N, D_IN), dtype=jnp.float32)
    edge_index = jax.random.randint(k2, (2, E), 0, N)
    scale = 1.0 / math.sqrt(D_IN * NB)
    weights = jax.random.uniform(k3, (D_IN, NB, D_OUT), minval=-scale, maxval=scale, dtype=jnp.float32)
    bias = jnp.zeros((D_OUT,), dtype=jnp.float32)
    ln_gamma = jnp.ones((D_IN,), dtype=jnp.float32)
    ln_beta = jnp.zeros((D_IN,), dtype=jnp.float32)
    return {"x": x, "edge_index": edge_index, "ln_gamma": ln_gamma, "ln_beta": ln_beta, "weights": weights, "bias": bias}


def reference(x, edge_index, ln_gamma, ln_beta, weights, bias):
    n_nodes = x.shape[0]
    src = edge_index[0]
    dst = edge_index[1]
    ew = jnp.ones((edge_index.shape[1],), dtype=jnp.float32)
    # add self loops
    loop = jnp.arange(n_nodes, dtype=src.dtype)
    src = jnp.concatenate([src, loop])
    dst = jnp.concatenate([dst, loop])
    ew = jnp.concatenate([ew, jnp.ones((n_nodes,), dtype=jnp.float32)])
    # row normalization by src degree
    degree = jax.ops.segment_sum(ew, src, num_segments=n_nodes)
    degree = jnp.clip(degree, 1.0, None)
    ew = ew / degree[src]
    # sparse mm: out[s] = sum_e w_e * x[dst_e] for edges with src_e == s
    agg = jax.ops.segment_sum(ew[:, None] * x[dst], src, num_segments=n_nodes)
    # FastKAN: LayerNorm
    mu = jnp.mean(agg, axis=-1, keepdims=True)
    var = jnp.mean((agg - mu) ** 2, axis=-1, keepdims=True)
    h = (agg - mu) / jnp.sqrt(var + 1e-5) * ln_gamma + ln_beta
    # RBF basis expansion
    centers = jnp.linspace(-1.0, 1.0, NB).astype(jnp.float32)
    grid_spacing = 2.0 / (NB - 1)
    sigma = grid_spacing / 2.0
    denom = 2.0 * sigma * sigma
    dist_sq = (h[..., None] - centers.reshape(1, 1, -1)) ** 2
    basis = jnp.exp(-dist_sq / denom)
    out = jnp.einsum('nif,ifo->no', basis, weights) + bias
    return out

if __name__ == "__main__":
    import jax
    _d = setup_inputs()
    print(jax.jit(kernel)(*tuple(_d.values())))

</pallas_src>

<mosaic_0001>
#map = affine_map<(d0, d1) -> (0, 0)>
#map1 = affine_map<(d0, d1) -> (0)>
#map2 = affine_map<(d0, d1) -> (0, 0, 0)>
module attributes {stable_mosaic.version = 14 : i64} {
  func.func @sc_agg(%arg0: i32, %arg1: i32, %arg2: memref<10000x144xf32, #tpu.memory_space<hbm>>, %arg3: memref<320000xi32, #tpu.memory_space<hbm>>, %arg4: memref<320000xi32, #tpu.memory_space<hbm>>, %arg5: memref<2x10000x144xf32, #tpu.memory_space<hbm>>, %arg6: memref<80xi32, #tpu.memory_space<vmem>>, %arg7: memref<80xi32, #tpu.memory_space<vmem>>, %arg8: memref<80x144xf32, #tpu.memory_space<vmem>>, %arg9: memref<10000x144xf32, #tpu.memory_space<vmem_shared>>, %arg10: memref<!tpu.dma_semaphore, #tpu.memory_space<semaphore_mem>>) attributes {dimension_semantics = [#tpu.dimension_semantics<core_parallel>, #tpu.dimension_semantics<subcore_parallel>], iteration_bounds = array<i64: 2, 16>, scalar_prefetch = 0 : i64, scratch_operands = 5 : i64, tpu.core_type = #tpu.core_type<sc_vector_subcore>, window_params = [{transform_indices = #map}, {transform_indices = #map1}, {transform_indices = #map1}, {transform_indices = #map2}]} {
    %mul3A = arith.constant 16 : i32
    %mul3A_0 = arith.muli %arg0, %mul3A : i32
    %add3A = arith.addi %mul3A_0, %arg1 : i32
    %mul3A_1 = arith.constant 625 : i32
    %mul3A_2 = arith.muli %arg1, %mul3A_1 : i32
    "tpu.region"() ({
      %run_scoped3A = tpu.sem_alloc : memref<!tpu.dma_semaphore, #tpu.memory_space<semaphore_mem>>
      %dma_start3A = arith.constant 0 : i32
      %dma_start3A_11 = tpu.memref_slice %arg9[%mul3A_2, %dma_start3A] : memref<10000x144xf32, #tpu.memory_space<vmem_shared>> -> memref<625x144xf32, #tpu.memory_space<vmem_shared>>
      %dma_start3A_12 = arith.constant 0 : i32
      %dma_start3A_13 = tpu.memref_slice %arg2[%mul3A_2, %dma_start3A_12] : memref<10000x144xf32, #tpu.memory_space<hbm>> -> memref<625x144xf32, #tpu.memory_space<hbm>>
      tpu.enqueue_dma source(%dma_start3A_13 : memref<625x144xf32, #tpu.memory_space<hbm>>) target(%dma_start3A_11 : memref<625x144xf32, #tpu.memory_space<vmem_shared>>) target_semaphore(%run_scoped3A : memref<!tpu.dma_semaphore, #tpu.memory_space<semaphore_mem>>)
      %dma_wait3A = arith.constant 0 : i32
      %dma_wait3A_14 = tpu.memref_slice %arg9[%mul3A_2, %dma_wait3A] : memref<10000x144xf32, #tpu.memory_space<vmem_shared>> -> memref<625x144xf32, #tpu.memory_space<vmem_shared>>
      %dma_wait3A_15 = arith.constant 0 : i32
      %dma_wait3A_16 = tpu.memref_slice %arg2[%mul3A_2, %dma_wait3A_15] : memref<10000x144xf32, #tpu.memory_space<hbm>> -> memref<625x144xf32, #tpu.memory_space<hbm>>
      tpu.wait_dma2 semaphore(%run_scoped3A : memref<!tpu.dma_semaphore, #tpu.memory_space<semaphore_mem>>) src(%dma_wait3A_16 : memref<625x144xf32, #tpu.memory_space<hbm>>) dst(%dma_wait3A_14 : memref<625x144xf32, #tpu.memory_space<vmem_shared>>)
      tpu.yield
    }) : () -> ()
    %barrier3A = arith.constant 0 : index
    tpu.barrier barrier_id(%barrier3A)
    %mul3A_3 = arith.constant 10000 : i32
    %mul3A_4 = arith.muli %add3A, %mul3A_3 : i32
    %scan3A = arith.constant 0 : i32
    %scan3A_5 = arith.constant 0 : i32
    %scan3A_6 = arith.constant 125 : i32
    %scan3A_7 = arith.addi %scan3A_5, %scan3A_6 : i32
    %scan3A_8 = arith.constant 1 : i32
    scf.for %scan3A_11 = %scan3A_5 to %scan3A_7 step %scan3A_8  : i32 {
      %mul3A_12 = arith.constant 80 : i32
      %mul3A_13 = arith.muli %scan3A_11, %mul3A_12 : i32
      %add3A_14 = arith.addi %mul3A_4, %mul3A_13 : i32
      "tpu.region"() ({
        %run_scoped3A = tpu.sem_alloc : memref<!tpu.dma_semaphore, #tpu.memory_space<semaphore_mem>>
        %dma_start3A_19 = tpu.memref_slice %arg4[%add3A_14] : memref<320000xi32, #tpu.memory_space<hbm>> -> memref<80xi32, #tpu.memory_space<hbm>>
        %dma_start3A_20 = tpu.memref_slice %arg4[%add3A_14] : memref<320000xi32, #tpu.memory_space<hbm>> -> memref<80xi32, #tpu.memory_space<hbm>>
        tpu.enqueue_dma source(%dma_start3A_20 : memref<80xi32, #tpu.memory_space<hbm>>) target(%arg6 : memref<80xi32, #tpu.memory_space<vmem>>) target_semaphore(%run_scoped3A : memref<!tpu.dma_semaphore, #tpu.memory_space<semaphore_mem>>)
        %dma_wait3A_21 = tpu.memref_slice %arg4[%add3A_14] : memref<320000xi32, #tpu.memory_space<hbm>> -> memref<80xi32, #tpu.memory_space<hbm>>
        %dma_wait3A_22 = tpu.memref_slice %arg4[%add3A_14] : memref<320000xi32, #tpu.memory_space<hbm>> -> memref<80xi32, #tpu.memory_space<hbm>>
        tpu.wait_dma2 semaphore(%run_scoped3A : memref<!tpu.dma_semaphore, #tpu.memory_space<semaphore_mem>>) src(%dma_wait3A_22 : memref<80xi32, #tpu.memory_space<hbm>>) dst(%arg6 : memref<80xi32, #tpu.memory_space<vmem>>)
        tpu.yield
      }) : () -> ()
      %dma_start3A = arith.constant 0 : i32
      %dma_start3A_15 = arith.constant 0 : i32
      %dma_start3A_16 = tpu.memref_slice %arg2[%dma_start3A, %dma_start3A_15] : memref<10000x144xf32, #tpu.memory_space<hbm>> -> memref<10000x144xf32, #tpu.memory_space<hbm>>
      tpu.enqueue_indirect_dma source(%dma_start3A_16 : memref<10000x144xf32, #tpu.memory_space<hbm>>) target(%arg8 : memref<80x144xf32, #tpu.memory_space<vmem>>) offsets(%arg6 : memref<80xi32, #tpu.memory_space<vmem>>) semaphore(%arg10 : memref<!tpu.dma_semaphore, #tpu.memory_space<semaphore_mem>>)
      %dma_wait3A = arith.constant 0 : i32
      %dma_wait3A_17 = arith.constant 0 : i32
      %dma_wait3A_18 = tpu.memref_slice %arg2[%dma_wait3A, %dma_wait3A_17] : memref<10000x144xf32, #tpu.memory_space<hbm>> -> memref<10000x144xf32, #tpu.memory_space<hbm>>
      tpu.wait_indirect_dma semaphore(%arg10 : memref<!tpu.dma_semaphore, #tpu.memory_space<semaphore_mem>>) src(%dma_wait3A_18 : memref<10000x144xf32, #tpu.memory_space<hbm>>) dst(%arg8 : memref<80x144xf32, #tpu.memory_space<vmem>>)
      "tpu.region"() ({
        %run_scoped3A = tpu.sem_alloc : memref<!tpu.dma_semaphore, #tpu.memory_space<semaphore_mem>>
        %dma_start3A_19 = tpu.memref_slice %arg3[%add3A_14] : memref<320000xi32, #tpu.memory_space<hbm>> -> memref<80xi32, #tpu.memory_space<hbm>>
        %dma_start3A_20 = tpu.memref_slice %arg3[%add3A_14] : memref<320000xi32, #tpu.memory_space<hbm>> -> memref<80xi32, #tpu.memory_space<hbm>>
        tpu.enqueue_dma source(%dma_start3A_20 : memref<80xi32, #tpu.memory_space<hbm>>) target(%arg7 : memref<80xi32, #tpu.memory_space<vmem>>) target_semaphore(%run_scoped3A : memref<!tpu.dma_semaphore, #tpu.memory_space<semaphore_mem>>)
        %dma_wait3A_21 = tpu.memref_slice %arg3[%add3A_14] : memref<320000xi32, #tpu.memory_space<hbm>> -> memref<80xi32, #tpu.memory_space<hbm>>
        %dma_wait3A_22 = tpu.memref_slice %arg3[%add3A_14] : memref<320000xi32, #tpu.memory_space<hbm>> -> memref<80xi32, #tpu.memory_space<hbm>>
        tpu.wait_dma2 semaphore(%run_scoped3A : memref<!tpu.dma_semaphore, #tpu.memory_space<semaphore_mem>>) src(%dma_wait3A_22 : memref<80xi32, #tpu.memory_space<hbm>>) dst(%arg7 : memref<80xi32, #tpu.memory_space<vmem>>)
        tpu.yield
      }) : () -> ()
      "tpu.region"() ({
        %run_scoped3A = tpu.sem_alloc : memref<!tpu.dma_semaphore, #tpu.memory_space<semaphore_mem>>
        %dma_start3A_19 = arith.constant 0 : i32
        %dma_start3A_20 = arith.constant 0 : i32
        %dma_start3A_21 = tpu.memref_slice %arg9[%dma_start3A_19, %dma_start3A_20] : memref<10000x144xf32, #tpu.memory_space<vmem_shared>> -> memref<10000x144xf32, #tpu.memory_space<vmem_shared>>
        tpu.enqueue_indirect_dma source(%arg8 : memref<80x144xf32, #tpu.memory_space<vmem>>) target(%dma_start3A_21 : memref<10000x144xf32, #tpu.memory_space<vmem_shared>>) offsets(%arg7 : memref<80xi32, #tpu.memory_space<vmem>>) semaphore(%run_scoped3A : memref<!tpu.dma_semaphore, #tpu.memory_space<semaphore_mem>>) {add = true}
        %dma_wait3A_22 = arith.constant 0 : i32
        %dma_wait3A_23 = arith.constant 0 : i32
        %dma_wait3A_24 = tpu.memref_slice %arg9[%dma_wait3A_22, %dma_wait3A_23] : memref<10000x144xf32, #tpu.memory_space<vmem_shared>> -> memref<10000x144xf32, #tpu.memory_space<vmem_shared>>
        tpu.wait_indirect_dma semaphore(%run_scoped3A : memref<!tpu.dma_semaphore, #tpu.memory_space<semaphore_mem>>) src(%arg8 : memref<80x144xf32, #tpu.memory_space<vmem>>) dst(%dma_wait3A_24 : memref<10000x144xf32, #tpu.memory_space<vmem_shared>>)
        tpu.yield
      }) : () -> ()
    }
    %scan3A_9 = arith.constant 125 : i32
    %barrier3A_10 = arith.constant 0 : index
    tpu.barrier barrier_id(%barrier3A_10)
    "tpu.region"() ({
      %run_scoped3A = tpu.sem_alloc : memref<!tpu.dma_semaphore, #tpu.memory_space<semaphore_mem>>
      %dma_start3A = arith.constant 0 : i32
      %dma_start3A_11 = tpu.memref_slice %arg5[%arg0, %mul3A_2, %dma_start3A] : memref<2x10000x144xf32, #tpu.memory_space<hbm>> -> memref<1x625x144xf32, #tpu.memory_space<hbm>>
      %dma_start3A_12 = tpu.memref_squeeze %dma_start3A_11 : memref<1x625x144xf32, #tpu.memory_space<hbm>> -> memref<625x144xf32, #tpu.memory_space<hbm>>
      %dma_start3A_13 = arith.constant 0 : i32
      %dma_start3A_14 = tpu.memref_slice %arg9[%mul3A_2, %dma_start3A_13] : memref<10000x144xf32, #tpu.memory_space<vmem_shared>> -> memref<625x144xf32, #tpu.memory_space<vmem_shared>>
      tpu.enqueue_dma source(%dma_start3A_14 : memref<625x144xf32, #tpu.memory_space<vmem_shared>>) target(%dma_start3A_12 : memref<625x144xf32, #tpu.memory_space<hbm>>) target_semaphore(%run_scoped3A : memref<!tpu.dma_semaphore, #tpu.memory_space<semaphore_mem>>)
      %dma_wait3A = arith.constant 0 : i32
      %dma_wait3A_15 = tpu.memref_slice %arg5[%arg0, %mul3A_2, %dma_wait3A] : memref<2x10000x144xf32, #tpu.memory_space<hbm>> -> memref<1x625x144xf32, #tpu.memory_space<hbm>>
      %dma_wait3A_16 = tpu.memref_squeeze %dma_wait3A_15 : memref<1x625x144xf32, #tpu.memory_space<hbm>> -> memref<625x144xf32, #tpu.memory_space<hbm>>
      %dma_wait3A_17 = arith.constant 0 : i32
      %dma_wait3A_18 = tpu.memref_slice %arg9[%mul3A_2, %dma_wait3A_17] : memref<10000x144xf32, #tpu.memory_space<vmem_shared>> -> memref<625x144xf32, #tpu.memory_space<vmem_shared>>
      tpu.wait_dma2 semaphore(%run_scoped3A : memref<!tpu.dma_semaphore, #tpu.memory_space<semaphore_mem>>) src(%dma_wait3A_18 : memref<625x144xf32, #tpu.memory_space<vmem_shared>>) dst(%dma_wait3A_16 : memref<625x144xf32, #tpu.memory_space<hbm>>)
      tpu.yield
    }) : () -> ()
    return
  }
}

module attributes {stable_mosaic.version = 14 : i64} {
  func.func @body(%arg0: i32, %arg1: memref<1000x144xf32, #tpu.memory_space<vmem>>, %arg2: memref<1000x144xf32, #tpu.memory_space<vmem>>, %arg3: memref<1000x128xf32, #tpu.memory_space<vmem>>, %arg4: memref<1x128xf32, #tpu.memory_space<vmem>>, %arg5: memref<1x128xf32, #tpu.memory_space<vmem>>, %arg6: memref<128x8x128xf32, #tpu.memory_space<vmem>>, %arg7: memref<1x128xf32, #tpu.memory_space<vmem>>, %arg8: memref<1000x128xf32, #tpu.memory_space<vmem>>) attributes {dimension_semantics = [#tpu.dimension_semantics<arbitrary>], iteration_bounds = array<i64: 10>, scalar_prefetch = 0 : i64, scratch_operands = 0 : i64, tpu.core_type = #tpu.core_type<tc>, window_params = [{transform_indices = @transform_0, window_bounds = array<i64: 1000, 144>}, {transform_indices = @transform_1, window_bounds = array<i64: 1000, 144>}, {transform_indices = @transform_2, window_bounds = array<i64: 1000, 128>}, {pipeline_mode = #tpu.pipeline_mode<synchronous>, transform_indices = @transform_3, window_bounds = array<i64: 1, 128>}, {pipeline_mode = #tpu.pipeline_mode<synchronous>, transform_indices = @transform_4, window_bounds = array<i64: 1, 128>}, {pipeline_mode = #tpu.pipeline_mode<synchronous>, transform_indices = @transform_5, window_bounds = array<i64: 128, 8, 128>}, {pipeline_mode = #tpu.pipeline_mode<synchronous>, transform_indices = @transform_6, window_bounds = array<i64: 1, 128>}, {transform_indices = @transform_7, window_bounds = array<i64: 1000, 128>}]} {
    %get3A = arith.constant 0 : index
    %get3A_0 = arith.constant 0 : index
    %get3A_1 = vector.load %arg1[%get3A, %get3A_0] : memref<1000x144xf32, #tpu.memory_space<vmem>>, vector<1000x144xf32>
    %get3A_2 = arith.constant 0 : index
    %get3A_3 = arith.constant 0 : index
    %get3A_4 = vector.load %arg2[%get3A_2, %get3A_3] : memref<1000x144xf32, #tpu.memory_space<vmem>>, vector<1000x144xf32>
    %get3A_5 = arith.constant 0 : index
    %get3A_6 = arith.constant 0 : index
    %get3A_7 = vector.load %arg3[%get3A_5, %get3A_6] : memref<1000x128xf32, #tpu.memory_space<vmem>>, vector<1000x128xf32>
    %slice3A = vector.extract_strided_slice %get3A_1 {offsets = [0, 0], sizes = [1000, 128], strides = [1, 1]} : vector<1000x144xf32> to vector<1000x128xf32>
    %slice3A_8 = vector.extract_strided_slice %get3A_4 {offsets = [0, 0], sizes = [1000, 128], strides = [1, 1]} : vector<1000x144xf32> to vector<1000x128xf32>
    %add3A = arith.addf %slice3A, %slice3A_8 : vector<1000x128xf32>
    %sub3A = arith.subf %add3A, %get3A_7 : vector<1000x128xf32>
    %slice3A_9 = vector.extract_strided_slice %get3A_1 {offsets = [0, 128], sizes = [1000, 1], strides = [1, 1]} : vector<1000x144xf32> to vector<1000x1xf32>
    %slice3A_10 = vector.extract_strided_slice %get3A_4 {offsets = [0, 128], sizes = [1000, 1], strides = [1, 1]} : vector<1000x144xf32> to vector<1000x1xf32>
    %add3A_11 = arith.addf %slice3A_9, %slice3A_10 : vector<1000x1xf32>
    %sub3A_12 = arith.constant 1.000000e+00 : f32
    %sub3A_13 = vector.broadcast %sub3A_12 : f32 to vector<1000x1xf32>
    %sub3A_14 = arith.subf %add3A_11, %sub3A_13 : vector<1000x1xf32>
    %div3A = vector.broadcast %sub3A_14 : vector<1000x1xf32> to vector<1000x128xf32>
    %div3A_15 = arith.divf %sub3A, %div3A : vector<1000x128xf32>
    %reduce_sum3A = arith.constant dense<0.000000e+00> : vector<1000xf32>
    %reduce_sum3A_16 = vector.multi_reduction <add>, %div3A_15, %reduce_sum3A [1] : vector<1000x128xf32> to vector<1000xf32>
    %broadcast_in_dim3A = vector.shape_cast %reduce_sum3A_16 : vector<1000xf32> to vector<1000x1xf32>
    %div3A_17 = arith.constant 1.280000e+02 : f32
    %div3A_18 = vector.broadcast %div3A_17 : f32 to vector<1000x1xf32>
    %div3A_19 = arith.divf %broadcast_in_dim3A, %div3A_18 : vector<1000x1xf32>
    %sub3A_20 = vector.broadcast %div3A_19 : vector<1000x1xf32> to vector<1000x128xf32>
    %sub3A_21 = arith.subf %div3A_15, %sub3A_20 : vector<1000x128xf32>
    %mul3A = arith.mulf %sub3A_21, %sub3A_21 : vector<1000x128xf32>
    %reduce_sum3A_22 = arith.constant dense<0.000000e+00> : vector<1000xf32>
    %reduce_sum3A_23 = vector.multi_reduction <add>, %mul3A, %reduce_sum3A_22 [1] : vector<1000x128xf32> to vector<1000xf32>
    %broadcast_in_dim3A_24 = vector.shape_cast %reduce_sum3A_23 : vector<1000xf32> to vector<1000x1xf32>
    %div3A_25 = arith.constant 1.280000e+02 : f32
    %div3A_26 = vector.broadcast %div3A_25 : f32 to vector<1000x1xf32>
    %div3A_27 = arith.divf %broadcast_in_dim3A_24, %div3A_26 : vector<1000x1xf32>
    %add3A_28 = arith.constant 9.99999974E-6 : f32
    %add3A_29 = vector.broadcast %add3A_28 : f32 to vector<1000x1xf32>
    %add3A_30 = arith.addf %div3A_27, %add3A_29 : vector<1000x1xf32>
    %rsqrt3A = math.rsqrt %add3A_30 : vector<1000x1xf32>
    %mul3A_31 = vector.broadcast %rsqrt3A : vector<1000x1xf32> to vector<1000x128xf32>
    %mul3A_32 = arith.mulf %sub3A_21, %mul3A_31 : vector<1000x128xf32>
    %get3A_33 = arith.constant 0 : index
    %get3A_34 = arith.constant 0 : index
    %get3A_35 = vector.load %arg4[%get3A_33, %get3A_34] : memref<1x128xf32, #tpu.memory_space<vmem>>, vector<1x128xf32>
    %mul3A_36 = vector.broadcast %get3A_35 : vector<1x128xf32> to vector<1000x128xf32>
    %mul3A_37 = arith.mulf %mul3A_32, %mul3A_36 : vector<1000x128xf32>
    %get3A_38 = arith.constant 0 : index
    %get3A_39 = arith.constant 0 : index
    %get3A_40 = vector.load %arg5[%get3A_38, %get3A_39] : memref<1x128xf32, #tpu.memory_space<vmem>>, vector<1x128xf32>
    %add3A_41 = vector.broadcast %get3A_40 : vector<1x128xf32> to vector<1000x128xf32>
    %add3A_42 = arith.addf %mul3A_37, %add3A_41 : vector<1000x128xf32>
    %broadcast_in_dim3A_43 = arith.constant 0.000000e+00 : f32
    %broadcast_in_dim3A_44 = vector.broadcast %broadcast_in_dim3A_43 : f32 to vector<1000x128xf32>
    %sub3A_45 = arith.constant -1.000000e+00 : f32
    %sub3A_46 = vector.broadcast %sub3A_45 : f32 to vector<1000x128xf32>
    %sub3A_47 = arith.subf %add3A_42, %sub3A_46 : vector<1000x128xf32>
    %mul3A_48 = arith.mulf %sub3A_47, %sub3A_47 : vector<1000x128xf32>
    %mul3A_49 = arith.constant -2.450000e+01 : f32
    %mul3A_50 = vector.broadcast %mul3A_49 : f32 to vector<1000x128xf32>
    %mul3A_51 = arith.mulf %mul3A_48, %mul3A_50 : vector<1000x128xf32>
    %exp3A = math.exp %mul3A_51 : vector<1000x128xf32>
    %get3A_52 = arith.constant 0 : index
    %get3A_53 = arith.constant 0 : index
    %get3A_54 = arith.constant 0 : index
    %get3A_55 = vector.load %arg6[%get3A_52, %get3A_53, %get3A_54] : memref<128x8x128xf32, #tpu.memory_space<vmem>>, vector<128x1x128xf32>
    %get3A_56 = vector.shape_cast %get3A_55 : vector<128x1x128xf32> to vector<128x128xf32>
    %dot_general3A = arith.constant dense<0.000000e+00> : vector<1000x128xf32>
    %dot_general3A_57 = tpu.matmul %exp3A, %get3A_56, %dot_general3A {dimension_numbers = #tpu.dot_dimension_numbers<[1], [0], [0], [1], [0, 0, 1, 1], [], []>, transpose_lhs_hint = false} : vector<1000x128xf32>, vector<128x128xf32>, vector<1000x128xf32> -> vector<1000x128xf32>
    %add3A_58 = arith.addf %broadcast_in_dim3A_44, %dot_general3A_57 : vector<1000x128xf32>
    %sub3A_59 = arith.constant -0.714285731 : f32
    %sub3A_60 = vector.broadcast %sub3A_59 : f32 to vector<1000x128xf32>
    %sub3A_61 = arith.subf %add3A_42, %sub3A_60 : vector<1000x128xf32>
    %mul3A_62 = arith.mulf %sub3A_61, %sub3A_61 : vector<1000x128xf32>
    %mul3A_63 = arith.constant -2.450000e+01 : f32
    %mul3A_64 = vector.broadcast %mul3A_63 : f32 to vector<1000x128xf32>
    %mul3A_65 = arith.mulf %mul3A_62, %mul3A_64 : vector<1000x128xf32>
    %exp3A_66 = math.exp %mul3A_65 : vector<1000x128xf32>
    %get3A_67 = arith.constant 0 : index
    %get3A_68 = arith.constant 1 : index
    %get3A_69 = arith.constant 0 : index
    %get3A_70 = vector.load %arg6[%get3A_67, %get3A_68, %get3A_69] : memref<128x8x128xf32, #tpu.memory_space<vmem>>, vector<128x1x128xf32>
    %get3A_71 = vector.shape_cast %get3A_70 : vector<128x1x128xf32> to vector<128x128xf32>
    %dot_general3A_72 = arith.constant dense<0.000000e+00> : vector<1000x128xf32>
    %dot_general3A_73 = tpu.matmul %exp3A_66, %get3A_71, %dot_general3A_72 {dimension_numbers = #tpu.dot_dimension_numbers<[1], [0], [0], [1], [0, 0, 1, 1], [], []>, transpose_lhs_hint = false} : vector<1000x128xf32>, vector<128x128xf32>, vector<1000x128xf32> -> vector<1000x128xf32>
    %add3A_74 = arith.addf %add3A_58, %dot_general3A_73 : vector<1000x128xf32>
    %sub3A_75 = arith.constant -0.428571433 : f32
    %sub3A_76 = vector.broadcast %sub3A_75 : f32 to vector<1000x128xf32>
    %sub3A_77 = arith.subf %add3A_42, %sub3A_76 : vector<1000x128xf32>
    %mul3A_78 = arith.mulf %sub3A_77, %sub3A_77 : vector<1000x128xf32>
    %mul3A_79 = arith.constant -2.450000e+01 : f32
    %mul3A_80 = vector.broadcast %mul3A_79 : f32 to vector<1000x128xf32>
    %mul3A_81 = arith.mulf %mul3A_78, %mul3A_80 : vector<1000x128xf32>
    %exp3A_82 = math.exp %mul3A_81 : vector<1000x128xf32>
    %get3A_83 = arith.constant 0 : index
    %get3A_84 = arith.constant 2 : index
    %get3A_85 = arith.constant 0 : index
    %get3A_86 = vector.load %arg6[%get3A_83, %get3A_84, %get3A_85] : memref<128x8x128xf32, #tpu.memory_space<vmem>>, vector<128x1x128xf32>
    %get3A_87 = vector.shape_cast %get3A_86 : vector<128x1x128xf32> to vector<128x128xf32>
    %dot_general3A_88 = arith.constant dense<0.000000e+00> : vector<1000x128xf32>
    %dot_general3A_89 = tpu.matmul %exp3A_82, %get3A_87, %dot_general3A_88 {dimension_numbers = #tpu.dot_dimension_numbers<[1], [0], [0], [1], [0, 0, 1, 1], [], []>, transpose_lhs_hint = false} : vector<1000x128xf32>, vector<128x128xf32>, vector<1000x128xf32> -> vector<1000x128xf32>
    %add3A_90 = arith.addf %add3A_74, %dot_general3A_89 : vector<1000x128xf32>
    %sub3A_91 = arith.constant -0.142857149 : f32
    %sub3A_92 = vector.broadcast %sub3A_91 : f32 to vector<1000x128xf32>
    %sub3A_93 = arith.subf %add3A_42, %sub3A_92 : vector<1000x128xf32>
    %mul3A_94 = arith.mulf %sub3A_93, %sub3A_93 : vector<1000x128xf32>
    %mul3A_95 = arith.constant -2.450000e+01 : f32
    %mul3A_96 = vector.broadcast %mul3A_95 : f32 to vector<1000x128xf32>
    %mul3A_97 = arith.mulf %mul3A_94, %mul3A_96 : vector<1000x128xf32>
    %exp3A_98 = math.exp %mul3A_97 : vector<1000x128xf32>
    %get3A_99 = arith.constant 0 : index
    %get3A_100 = arith.constant 3 : index
    %get3A_101 = arith.constant 0 : index
    %get3A_102 = vector.load %arg6[%get3A_99, %get3A_100, %get3A_101] : memref<128x8x128xf32, #tpu.memory_space<vmem>>, vector<128x1x128xf32>
    %get3A_103 = vector.shape_cast %get3A_102 : vector<128x1x128xf32> to vector<128x128xf32>
    %dot_general3A_104 = arith.constant dense<0.000000e+00> : vector<1000x128xf32>
    %dot_general3A_105 = tpu.matmul %exp3A_98, %get3A_103, %dot_general3A_104 {dimension_numbers = #tpu.dot_dimension_numbers<[1], [0], [0], [1], [0, 0, 1, 1], [], []>, transpose_lhs_hint = false} : vector<1000x128xf32>, vector<128x128xf32>, vector<1000x128xf32> -> vector<1000x128xf32>
    %add3A_106 = arith.addf %add3A_90, %dot_general3A_105 : vector<1000x128xf32>
    %sub3A_107 = arith.constant 0.142857149 : f32
    %sub3A_108 = vector.broadcast %sub3A_107 : f32 to vector<1000x128xf32>
    %sub3A_109 = arith.subf %add3A_42, %sub3A_108 : vector<1000x128xf32>
    %mul3A_110 = arith.mulf %sub3A_109, %sub3A_109 : vector<1000x128xf32>
    %mul3A_111 = arith.constant -2.450000e+01 : f32
    %mul3A_112 = vector.broadcast %mul3A_111 : f32 to vector<1000x128xf32>
    %mul3A_113 = arith.mulf %mul3A_110, %mul3A_112 : vector<1000x128xf32>
    %exp3A_114 = math.exp %mul3A_113 : vector<1000x128xf32>
    %get3A_115 = arith.constant 0 : index
    %get3A_116 = arith.constant 4 : index
    %get3A_117 = arith.constant 0 : index
    %get3A_118 = vector.load %arg6[%get3A_115, %get3A_116, %get3A_117] : memref<128x8x128xf32, #tpu.memory_space<vmem>>, vector<128x1x128xf32>
    %get3A_119 = vector.shape_cast %get3A_118 : vector<128x1x128xf32> to vector<128x128xf32>
    %dot_general3A_120 = arith.constant dense<0.000000e+00> : vector<1000x128xf32>
    %dot_general3A_121 = tpu.matmul %exp3A_114, %get3A_119, %dot_general3A_120 {dimension_numbers = #tpu.dot_dimension_numbers<[1], [0], [0], [1], [0, 0, 1, 1], [], []>, transpose_lhs_hint = false} : vector<1000x128xf32>, vector<128x128xf32>, vector<1000x128xf32> -> vector<1000x128xf32>
    %add3A_122 = arith.addf %add3A_106, %dot_general3A_121 : vector<1000x128xf32>
    %sub3A_123 = arith.constant 0.428571433 : f32
    %sub3A_124 = vector.broadcast %sub3A_123 : f32 to vector<1000x128xf32>
    %sub3A_125 = arith.subf %add3A_42, %sub3A_124 : vector<1000x128xf32>
    %mul3A_126 = arith.mulf %sub3A_125, %sub3A_125 : vector<1000x128xf32>
    %mul3A_127 = arith.constant -2.450000e+01 : f32
    %mul3A_128 = vector.broadcast %mul3A_127 : f32 to vector<1000x128xf32>
    %mul3A_129 = arith.mulf %mul3A_126, %mul3A_128 : vector<1000x128xf32>
    %exp3A_130 = math.exp %mul3A_129 : vector<1000x128xf32>
    %get3A_131 = arith.constant 0 : index
    %get3A_132 = arith.constant 5 : index
    %get3A_133 = arith.constant 0 : index
    %get3A_134 = vector.load %arg6[%get3A_131, %get3A_132, %get3A_133] : memref<128x8x128xf32, #tpu.memory_space<vmem>>, vector<128x1x128xf32>
    %get3A_135 = vector.shape_cast %get3A_134 : vector<128x1x128xf32> to vector<128x128xf32>
    %dot_general3A_136 = arith.constant dense<0.000000e+00> : vector<1000x128xf32>
    %dot_general3A_137 = tpu.matmul %exp3A_130, %get3A_135, %dot_general3A_136 {dimension_numbers = #tpu.dot_dimension_numbers<[1], [0], [0], [1], [0, 0, 1, 1], [], []>, transpose_lhs_hint = false} : vector<1000x128xf32>, vector<128x128xf32>, vector<1000x128xf32> -> vector<1000x128xf32>
    %add3A_138 = arith.addf %add3A_122, %dot_general3A_137 : vector<1000x128xf32>
    %sub3A_139 = arith.constant 0.714285731 : f32
    %sub3A_140 = vector.broadcast %sub3A_139 : f32 to vector<1000x128xf32>
    %sub3A_141 = arith.subf %add3A_42, %sub3A_140 : vector<1000x128xf32>
    %mul3A_142 = arith.mulf %sub3A_141, %sub3A_141 : vector<1000x128xf32>
    %mul3A_143 = arith.constant -2.450000e+01 : f32
    %mul3A_144 = vector.broadcast %mul3A_143 : f32 to vector<1000x128xf32>
    %mul3A_145 = arith.mulf %mul3A_142, %mul3A_144 : vector<1000x128xf32>
    %exp3A_146 = math.exp %mul3A_145 : vector<1000x128xf32>
    %get3A_147 = arith.constant 0 : index
    %get3A_148 = arith.constant 6 : index
    %get3A_149 = arith.constant 0 : index
    %get3A_150 = vector.load %arg6[%get3A_147, %get3A_148, %get3A_149] : memref<128x8x128xf32, #tpu.memory_space<vmem>>, vector<128x1x128xf32>
    %get3A_151 = vector.shape_cast %get3A_150 : vector<128x1x128xf32> to vector<128x128xf32>
    %dot_general3A_152 = arith.constant dense<0.000000e+00> : vector<1000x128xf32>
    %dot_general3A_153 = tpu.matmul %exp3A_146, %get3A_151, %dot_general3A_152 {dimension_numbers = #tpu.dot_dimension_numbers<[1], [0], [0], [1], [0, 0, 1, 1], [], []>, transpose_lhs_hint = false} : vector<1000x128xf32>, vector<128x128xf32>, vector<1000x128xf32> -> vector<1000x128xf32>
    %add3A_154 = arith.addf %add3A_138, %dot_general3A_153 : vector<1000x128xf32>
    %sub3A_155 = arith.constant 1.000000e+00 : f32
    %sub3A_156 = vector.broadcast %sub3A_155 : f32 to vector<1000x128xf32>
    %sub3A_157 = arith.subf %add3A_42, %sub3A_156 : vector<1000x128xf32>
    %mul3A_158 = arith.mulf %sub3A_157, %sub3A_157 : vector<1000x128xf32>
    %mul3A_159 = arith.constant -2.450000e+01 : f32
    %mul3A_160 = vector.broadcast %mul3A_159 : f32 to vector<1000x128xf32>
    %mul3A_161 = arith.mulf %mul3A_158, %mul3A_160 : vector<1000x128xf32>
    %exp3A_162 = math.exp %mul3A_161 : vector<1000x128xf32>
    %get3A_163 = arith.constant 0 : index
    %get3A_164 = arith.constant 7 : index
    %get3A_165 = arith.constant 0 : index
    %get3A_166 = vector.load %arg6[%get3A_163, %get3A_164, %get3A_165] : memref<128x8x128xf32, #tpu.memory_space<vmem>>, vector<128x1x128xf32>
    %get3A_167 = vector.shape_cast %get3A_166 : vector<128x1x128xf32> to vector<128x128xf32>
    %dot_general3A_168 = arith.constant dense<0.000000e+00> : vector<1000x128xf32>
    %dot_general3A_169 = tpu.matmul %exp3A_162, %get3A_167, %dot_general3A_168 {dimension_numbers = #tpu.dot_dimension_numbers<[1], [0], [0], [1], [0, 0, 1, 1], [], []>, transpose_lhs_hint = false} : vector<1000x128xf32>, vector<128x128xf32>, vector<1000x128xf32> -> vector<1000x128xf32>
    %add3A_170 = arith.addf %add3A_154, %dot_general3A_169 : vector<1000x128xf32>
    %get3A_171 = arith.constant 0 : index
    %get3A_172 = arith.constant 0 : index
    %get3A_173 = vector.load %arg7[%get3A_171, %get3A_172] : memref<1x128xf32, #tpu.memory_space<vmem>>, vector<1x128xf32>
    %add3A_174 = vector.broadcast %get3A_173 : vector<1x128xf32> to vector<1000x128xf32>
    %add3A_175 = arith.addf %add3A_170, %add3A_174 : vector<1000x128xf32>
    %swap3A = arith.constant 0 : index
    %swap3A_176 = arith.constant 0 : index
    %swap3A_177 = vector.load %arg8[%swap3A, %swap3A_176] : memref<1000x128xf32, #tpu.memory_space<vmem>>, vector<1000x128xf32>
    tpu.vector_store %arg8[%swap3A, %swap3A_176], %add3A_175 {strides = array<i32>} : memref<1000x128xf32, #tpu.memory_space<vmem>>, vector<1000x128xf32>,
    return
  }
  func.func @transform_0(%arg0: i32) -> (i32, i32) {
    %c0_i32 = arith.constant 0 : i32
    %c0_i32_0 = arith.constant 0 : i32
    return %arg0, %c0_i32 : i32, i32
  }
  func.func @transform_1(%arg0: i32) -> (i32, i32) {
    %c0_i32 = arith.constant 0 : i32
    %c0_i32_0 = arith.constant 0 : i32
    return %arg0, %c0_i32 : i32, i32
  }
  func.func @transform_2(%arg0: i32) -> (i32, i32) {
    %c0_i32 = arith.constant 0 : i32
    %c0_i32_0 = arith.constant 0 : i32
    return %arg0, %c0_i32 : i32, i32
  }
  func.func @transform_3(%arg0: i32) -> (i32, i32) {
    %c0_i32 = arith.constant 0 : i32
    %c0_i32_0 = arith.constant 0 : i32
    %c0_i32_1 = arith.constant 0 : i32
    return %c0_i32, %c0_i32_0 : i32, i32
  }
  func.func @transform_4(%arg0: i32) -> (i32, i32) {
    %c0_i32 = arith.constant 0 : i32
    %c0_i32_0 = arith.constant 0 : i32
    %c0_i32_1 = arith.constant 0 : i32
    return %c0_i32, %c0_i32_0 : i32, i32
  }
  func.func @transform_5(%arg0: i32) -> (i32, i32, i32) {
    %c0_i32 = arith.constant 0 : i32
    %c0_i32_0 = arith.constant 0 : i32
    %c0_i32_1 = arith.constant 0 : i32
    %c0_i32_2 = arith.constant 0 : i32
    return %c0_i32, %c0_i32_0, %c0_i32_1 : i32, i32, i32
  }
  func.func @transform_6(%arg0: i32) -> (i32, i32) {
    %c0_i32 = arith.constant 0 : i32
    %c0_i32_0 = arith.constant 0 : i32
    %c0_i32_1 = arith.constant 0 : i32
    return %c0_i32, %c0_i32_0 : i32, i32
  }
  func.func @transform_7(%arg0: i32) -> (i32, i32) {
    %c0_i32 = arith.constant 0 : i32
    %c0_i32_0 = arith.constant 0 : i32
    return %arg0, %c0_i32 : i32, i32
  }
}

</mosaic_0001>

<sc_bundles>
// kernel: kernel.4.cloned.1.call-start
scs
__scs_entry_jumppad:
0x0: {  	(pc) =	sbr.rel $0x88, $3  }
0x1: {  	(tag) =	ssettag $0x0;
	lr =	simm.s32 $0x1  }
0x2: {  	[smem:$0x3F9B] =	sst lr;
	_ =	strace $0xD0000000  }
0x3: {  	_ = 	snop  }
0x4: {  	_ = 	snop  }
0x5: {  	_ = 	snop  }
0x6: {  	_ = 	snop  }
0x7: {  	_ = 	snop  }
__scs_overlays_trampoline_lowered:
0x8: {  	[smem:$0x3FAA] =	sst s0  }
0x9: {  	[smem:$0x3FAB] =	sst s1  }
0xa: {  	[smem:$0x3FAC] =	sst s2  }
0xb: {  	[smem:$0x3FAD] =	sst s3  }
0xc: {  	[smem:$0x3FAE] =	sst s4  }
0xd: {  	[smem:$0x3FAF] =	sst s5  }
0xe: {  	[smem:$0x3FB0] =	sst s6  }
0xf: {  	[smem:$0x3FB1] =	sst s7  }
0x10: {  	[smem:$0x3FB2] =	sst s8  }
0x11: {  	[smem:$0x3FB3] =	sst s9;
	s0 =	simm.s32 @!p0 $0x0  }
0x12: {  	s1 =	sld [smem:$0x3F99];
	s0 =	simm.s32 @p0 $0x1  }
0x13: {  	[smem:$0x3FB4] =	sst s0;
	s0 =	simm.s32 @!p1 $0x0  }
0x14: {  	s2 =	sld [smem:$0x3F98];
	s0 =	simm.s32 @p1 $0x1  }
0x15: {  	[smem:$0x3FB5] =	sst s0;
	s0 =	simm.s32 @!p2 $0x0  }
0x16: {  	s3 =	sld [smem:$0x3FDB];
	s0 =	simm.s32 @p2 $0x1  }
0x17: {  	s4 =	simm.s32 $0x1BF5;
	[smem:$0x3FB7] =	sst s0  }
0x18: {  	s0 =	sld [smem:$0x3F9A];
	_ =	swait.ge [sflag:s4], $0x0  }
0x19: {  	s7 =	sld [smem:$0x3F9B]  }
0x1a: {  	s8 =	sadd.s32 $0xFFFFE003, lr  }
0x1b: {  	s9 =	sadd.s32 $0xFFFFFEF7, lr;
	s5 =	simm.s32 $0xFFFFFFFF;
	p2 =	slt.u32 s8, $0xFFFFF086  }
0x1c: {  	p1 =	slt.u32 s9, $0xF7A;
	s5 =	simm.s32 @!p2 $0x0  }
0x1d: {  	s5 =	simm.s32 @p1 $0x1;
	p0 =	seq.s32 s7, s2  }
0x1e: {  	s7 =	smul.u32 @!p0 $0xF7A, s2;
	p2 =	seq.s32 @!p0 s5, $0x0  }
0x1f: {  	s9 =	smul.u32 $0xF7A, s1;
	s8 =	simm.s32 @!p0 $0x1BF5;
	p2 =	por !p2, p0  }
0x20: {  	[sflag:s8] =	ssyncset.s32 @!p0 $0xFFFFF086;
	s6 =	sadd.s32 @!p0 s3, s7;
	s7 =	simm.s32 @!p0 $0x108  }
0x21: {  	s3 =	sadd.s32 s3, s9;
	s6 =	sadd.s32 @!p0 $0x88, s6;
	s7 =	simm.s32 @p2 $0x1082  }
0x22: {  	[simem:s7], [sflag:s8] =	dma.local @!p0 [hbm:s6], $0xF7A  }
0x23: {  	s9 =	sor.u32 $0xD0000000, s2;
	s6 =	simm.s32 $0x108;
	_ =	swait.ge @!p0 [sflag:s8], $0x0  }
0x24: {  	s3 =	sadd.s32 $0x88, s3;
	s6 =	simm.s32 @!p1 $0x1082;
	[sflag:s4] =	ssyncset.s32 $0xFFFFF086  }
0x25: {  	[simem:s6], [sflag:s4] =	dma.local [hbm:s3], $0xF7A  }
0x26: {  	[smem:$0x3F9B] =	sst s1;
	(tag) =	ssettag s2;
	_ =	strace s9  }
0x27: {  	s1 =	sld [smem:$0x3FAB]  }
0x28: {  	s2 =	sld [smem:$0x3FAC]  }
0x29: {  	s4 =	sld [smem:$0x3FAE]  }
0x2a: {  	p0 =	seq.s32 s5, $0x0;
	s5 =	sld [smem:$0x3FAF]  }
0x2b: {  	s6 =	sld [smem:$0x3FB0]  }
0x2c: {  	s7 =	sld [smem:$0x3FB1]  }
0x2d: {  	s3 =	simm.s32 $0x108;
	s8 =	sld [smem:$0x3FB2]  }
0x2e: {  	s3 =	simm.s32 @!p0 $0x1082;
	s9 =	sld [smem:$0x3FB3]  }
0x2f: {  	lr =	sadd.s32 s0, s3;
	s0 =	sld [smem:$0x3FAA]  }
0x30: {  	s3 =	sld [smem:$0x3FAD]  }
0x31: {  	[smem:$0x3FB6] =	sst s10  }
0x32: {  	s10 =	sld [smem:$0x3FB4];
	_ =	sdelay $0x3  }
0x33: {  	p0 =	seq.s32 s10, $0x1;
	s10 =	sld [smem:$0x3FB6];
	_ =	sdelay $0x3  }
0x34: {  	[smem:$0x3FB6] =	sst s10  }
0x35: {  	s10 =	sld [smem:$0x3FB5];
	_ =	sdelay $0x3  }
0x36: {  	p1 =	seq.s32 s10, $0x1;
	s10 =	sld [smem:$0x3FB6];
	_ =	sdelay $0x3  }
0x37: {  	[smem:$0x3FB6] =	sst s10  }
0x38: {  	s10 =	sld [smem:$0x3FB7]  }
0x39: {  	_ = 	snop;
	(pc) =	sbr.ind lr, $3  }
0x3a: {  	_ = 	snop  }
0x3b: {  	_ = 	snop  }
0x3c: {  	p2 =	seq.s32 s10, $0x1;
	s10 =	sld [smem:$0x3FB6]  }
0x3d: {  	_ =	shalt  }
0x3e: {  	_ =	shalt  }
0x3f: {  	_ =	shalt  }
0x40: {  	_ =	shalt  }
0x41: {  	_ =	shalt  }
0x42: {  	_ =	shalt  }
0x43: {  	_ =	shalt  }
0x44: {  	_ =	shalt  }
0x45: {  	_ =	shalt  }
0x46: {  	_ =	shalt  }
0x47: {  	_ =	shalt  }
0x48: {  	_ =	shalt  }
0x49: {  	_ =	shalt  }
0x4a: {  	_ =	shalt  }
0x4b: {  	_ =	shalt  }
0x4c: {  	_ =	shalt  }
0x4d: {  	_ =	shalt  }
0x4e: {  	_ =	shalt  }
0x4f: {  	_ =	shalt  }
0x50: {  	_ =	shalt  }
0x51: {  	_ =	shalt  }
0x52: {  	_ =	shalt  }
0x53: {  	_ =	shalt  }
0x54: {  	_ =	shalt  }
0x55: {  	_ =	shalt  }
0x56: {  	_ =	shalt  }
0x57: {  	_ =	shalt  }
0x58: {  	_ =	shalt  }
0x59: {  	_ =	shalt  }
0x5a: {  	_ =	shalt  }
0x5b: {  	_ =	shalt  }
0x5c: {  	_ =	shalt  }
0x5d: {  	_ =	shalt  }
0x5e: {  	_ =	shalt  }
0x5f: {  	_ =	shalt  }
0x60: {  	_ =	shalt  }
0x61: {  	_ =	shalt  }
0x62: {  	_ =	shalt  }
0x63: {  	_ =	shalt  }
0x64: {  	_ =	shalt  }
0x65: {  	_ =	shalt  }
0x66: {  	_ =	shalt  }
0x67: {  	_ =	shalt  }
0x68: {  	_ =	shalt  }
0x69: {  	_ =	shalt  }
0x6a: {  	_ =	shalt  }
0x6b: {  	_ =	shalt  }
0x6c: {  	_ =	shalt  }
0x6d: {  	_ =	shalt  }
0x6e: {  	_ =	shalt  }
0x6f: {  	_ =	shalt  }
0x70: {  	_ =	shalt  }
0x71: {  	_ =	shalt  }
0x72: {  	_ =	shalt  }
0x73: {  	_ =	shalt  }
0x74: {  	_ =	shalt  }
0x75: {  	_ =	shalt  }
0x76: {  	_ =	shalt  }
0x77: {  	_ =	shalt  }
0x78: {  	_ =	shalt  }
0x79: {  	_ =	shalt  }
0x7a: {  	_ =	shalt  }
0x7b: {  	_ =	shalt  }
0x7c: {  	_ =	shalt  }
0x7d: {  	_ =	shalt  }
0x7e: {  	_ =	shalt  }
0x7f: {  	_ =	shalt  }
0x80: {  	_ =	shalt  }
0x81: {  	_ =	shalt  }
0x82: {  	_ =	shalt  }
0x83: {  	_ =	shalt  }
0x84: {  	_ =	shalt  }
0x85: {  	_ =	shalt  }
0x86: {  	_ =	shalt  }
0x87: {  	_ =	shalt  }
.Lfunc_end0:
.L_simem_size_0:
called_computation_lowered:
.L_overlay_start_0:
0x88: {  	s2 =	sld [smem:$0x3FD9]  }
0x89: {  	s3 =	sld [smem:$0x3FFE];
	_ =	sdelay $0x1  }
0x8a: {  	s1 =	srdreg.scid  }
0x8b: {  	s0 =	sand.u32 $0x1, s1  }
0x8c: {  	s17 =	sshll.u32 s0, $0xA;
	s2 =	sadd.s32 s3, s2  }
0x8d: {  	s2 =	sadd.s32 s2, s17  }
0x8e: {  	[smem:$0x3FC2] =	sst s2  }
0x8f: {  	_ = 	snop  }
0x90: {  	s2 =	sld [smem:$0x3FD0];
	(tm) =	ssettm $0x1  }
0x91: {  	s18 =	sld [smem:$0x3FFB];
	_ =	sdelay $0x3  }
0x92: {  	_ =	strace s18  }
0x93: {  	s3 =	sld [smem:$0x3FFC];
	_ =	sdelay $0x3  }
0x94: {  	_ =	strace s3  }
0x95: {  	s3 =	sld [smem:$0x3FFD];
	_ =	sdelay $0x3  }
0x96: {  	_ =	strace s3  }
0x97: {  	_ =	strace $0x8FFFFFFF  }
0x98: {  	s19 =	sld [smem:$0x3FDB];
	_ =	sdelay $0x1  }
0x99: {  	s4 =	simm.s32 $_scs_section_size  }
0x9a: {  	s5 =	simm.s32 $_size__tile_overlayer_lowered;
	s6 =	simm.s32 $_tile_overlayer_lowered  }
0x9b: {  	s22 =	simm.s32 $0x1BFF;
	s21 =	sshll.u32 s6, $0x1;
	s3 =	sadd.s32 s4, s19  }
0x9c: {  	s7 =	simm.s32 $0x0;
	s20 =	sshll.u32 s5, $0x1;
	s5 =	sadd.s32 s21, s3  }
0x9d: {  	[timem:s7], [sflag:s22] =	dma.local [hbm:s5], s20  }
0x9e: {  	_ =	swait.ge [sflag:s22], s20  }
0x9f: {  	s4 =	ssub.s32 $0x0, s20;
	[sflag:s22] =	ssyncset.done $0x0  }
0xa0: {  	[sflag:s22] =	ssyncadd.s32 s4;
	_ =	sdelay $0x1  }
0xa1: {  	s23 =	simm.s32 $0x1B8B  }
0xa2: {  	_ =	swait.ge [sflag:s23], $0x1  }
0xa3: {  	[sflag:s23] =	ssyncset.done $0x0  }
0xa4: {  	s25 =	simm.s32 $0x1B8E;
	s24 =	sld [smem:$0x3FFE];
	[sflag:s23] =	ssyncadd.s32 $0xFFFFFFFF  }
0xa5: {  	s26 =	simm.s32 $execute0_lowered;
	[smem:$0x3FD2] =	sst s25  }
0xa6: {  	s5 =	sshll.u32 s26, $0x1;
	_ =	strace $0x80000046;
	[dreg:$0x1] =	wrdreg $0xFFFFFFFF  }
0xa7: {  	s28 =	simm.s32 $_size_execute0_lowered;
	s3 =	sadd.s32 s3, s5;
	[dreg:$0x0] =	wrdreg $0x0  }
0xa8: {  	s5 =	sshll.u32 s28, $0x1;
	[dreg:$0x2] =	wrdreg s3  }
0xa9: {  	[dreg:$0x3] =	wrdreg s5  }
0xaa: {  	[dreg:$0x4] =	wrdreg $0xC0  }
0xab: {  	_ =	task [dreg:s7], $0x5FFFF  }
0xac: {  	[dreg:$0x1] =	wrdreg $0xFFFFFFFF  }
0xad: {  	[dreg:$0x0] =	wrdreg $0x60  }
0xae: {  	[dreg:$0x2] =	wrdreg s24  }
0xaf: {  	[dreg:$0x3] =	wrdreg s2  }
0xb0: {  	[dreg:$0x4] =	wrdreg $0x2DA00  }
0xb1: {  	[dreg:$0x5] =	wrdreg $0x9  }
0xb2: {  	_ =	task.clear_ibuf [dreg:s7], $0x6FFFF;
	_ =	strace $0x90000046  }
0xb3: {  	s29 =	simm.s32 $0x9;
	_ =	strace $0x80000048  }
0xb4: {  	_ =	swait.ge [sflag:s29], $0x1  }
0xb5: {  	[sflag:s29] =	ssyncadd.s32 $0xFFFFFFFF  }
0xb6: {  	_ =	strace $0x90000048  }
0xb7: {  	_ =	sfence  }
0xb8: {  	s30 =	sld [smem:$0x0];
	_ =	sdelay $0x2  }
0xb9: {  	s31 =	sshll.u32 s1, $0xD;
	s1 =	sshrl.u32 s1, $0x2  }
0xba: {  	s3 =	sand.u32 $0x4000, s31;
	s1 =	sadd.s32 s1, s30  }
0xbb: {  	s0 =	sor.u32 s3, s0;
	s1 =	sshll.u32 s1, $0x11  }
0xbc: {  	s0 =	sor.u32 s1, s0  }
0xbd: {  	s0 =	sadd.s32 $0x8F2B, s0  }
0xbe: {  	[sflag:s0] =	ssyncadd.remote.s32 $0x1  }
0xbf: {  	_ =	sfence.sel $0xFFFF  }
0xc0: {  	[dreg:$0x0] =	wrdreg $0xFFFFFFFF;
	(pc) =	sbr.abs _section_cstart, $3  }
0xc1: {  	[dreg:$0x1] =	wrdreg $0xFFFFFFFF  }
0xc2: {  	_ =	task.clear_ibuf [dreg:s7], $0x2FFFF;
	_ =	strace $0x9FFFFFFF  }
0xc3: {  	(tm) =	ssettm $0x7FFFFFFF  }
tec
execute0_lowered:
.L_overlay_start_1:
0x0: {  	(tag) =	ssettag $0x1  }
0x1: {  	s5 =	rddreg [dreg:$0x0]  }
0x2: {  	s10 =	rddreg [dreg:$0x1]  }
0x3: {  	s0 =	srdreg.scid;
	s2 =	rddreg [dreg:$0x2]  }
0x4: {  	s1 =	rddreg [dreg:$0x3];
	s6 =	sand.u32 $0x1, s0  }
0x5: {  	s3 =	simm.s32 $0x0;
	s0 =	stileid.u32;
	s7 =	smul.u32 $0x27100, s6  }
0x6: {  	s14 =	simm.s32 $0xA0;
	s15 =	simm.s32 $0x1;
	s8 =	smul.u32 $0x2710, s0  }
0x7: {  	s16 =	simm.s32 $0x0;
	[smem:$0x7FF] =	sst s3;
	s9 =	smul.u32 $0x15F90, s0  }
0x8: {  	s4 =	sadd.s32 $0xAC00, s5;
	s11 =	smul.u32 $0x15F900, s6;
	s6 =	ssub.s32 $0x2, s6  }
0x9: {  	_ =	strace $0x80000047;
	s31 =	sshll.u32 s0, $0x6;
	s29 =	sshrl.u32 s6, $0x1  }
0xa: {  	s7 =	sadd.s32 s8, s7;
	s25 =	sadd.s32 s9, s11;
	s8 =	ssub.s32 s6, s29  }
0xb: {  	s13 =	sadd.s32 s9, s2;
	s30 =	sshrl.u32 s9, $0x3;
	s6 =	sor.u32 $0x1C02, s31  }
0xc: {  	s26 =	sshrl.u32 s7, $0x3;
	s28 =	sshrl.u32 s25, $0x3;
	s8 =	smax.u32 s8, $0x1  }
0xd: {  	s11 =	sshrl.u32 s13, $0x3;
	s13 =	simm.s32 $0x50;
	s12 =	sadd.s32 s26, s5  }
0xe: {  	s7 =	sadd.s32 s28, s5;
	s5 =	sadd.s32 s4, s30;
	s10 =	sadd.s32 s26, s10  }
0xf: {  	s7 =	sadd.s32 $0x36C00, s7;
	s9 =	sadd.s32 $0xE00, s12;
	s12 =	simm.s32 $0x2  }
.LBB2_1:
0x10: {  	[spmem:s11], [sflag:s6] =	dma.local [hbm:s5], $0x2BF2  }
0x11: {  	_ =	swait.ge [sflag:s12], $0x2BF2  }
0x12: {  	[sflag:s12] =	ssyncset.done $0x0  }
0x13: {  	[sflag:s12] =	ssyncadd.s32 $0xFFFFD40E  }
0x14: {  	s17 =	sadd.s32 $0x0, s10;
	[bflag:$0x0] =	sbarrier.arrive $0xFFFF  }
0x15: {  	[tilespmem:s3], [sflag:$0x2] =	stream.linear.gather [hbm4b:s17+s3], $0x50, $0x38;
	[tilespmem:$0x18D30] =	vst v63  }
0x16: {  	_ =	swait.ge [sflag:s12], $0x50  }
0x17: {  	[sflag:s12] =	ssyncset.done $0x0  }
0x18: {  	[sflag:s12] =	ssyncadd.s32 $0xFFFFFFB0  }
0x19: {  	[tilespmem:s14], [sflag:$0x1] =	stream.indirect.gather [hbm4b:s4+s13], $0x90, s3, s13, $0xb8;
	[tilespmem:$0x18D30] =	vst v63  }
0x1a: {  	_ =	swait.ge [sflag:s15], $0x2D00  }
0x1b: {  	[sflag:s15] =	ssyncset.done $0x0  }
0x1c: {  	s31 =	sadd.s32 $0x0, s9;
	[sflag:s15] =	ssyncadd.s32 $0xFFFFD300  }
0x1d: {  	[tilespmem:s13], [sflag:$0x2] =	stream.linear.gather [hbm4b:s31+s3], $0x50, $0x38;
	[tilespmem:$0x18D30] =	vst v63  }
0x1e: {  	_ =	swait.ge [sflag:s12], $0x50  }
0x1f: {  	[sflag:s12] =	ssyncset.done $0x0  }
0x20: {  	[sflag:s12] =	ssyncadd.s32 $0xFFFFFFB0  }
0x21: {  	[spmem:s2] =	stream.indirect.scatter.add.f32 [tilespmem:s14], [sflag:$0x2], $0x90, s13, s13, $0xb8;
	[tilespmem:$0x18D30] =	vst v63  }
0x22: {  	_ =	swait.ge [sflag:s12], $0x2D00  }
0x23: {  	s18 =	simm.s32 $0x14;
	s17 =	simm.s32 $0xA;
	[sflag:s12] =	ssyncset.done $0x0  }
.LBB2_2:
0x24: {  	s19 =	sadd.s32 s17, s10  }
0x25: {  	[sflag:s12] =	ssyncadd.s32 $0xFFFFD300;
	s20 =	smov.u32 s18;
	s21 =	sadd.s32 $0xA, s18  }
0x26: {  	[tilespmem:s3], [sflag:$0x2] =	stream.linear.gather [hbm4b:s19+s3], $0x50, $0x38;
	[tilespmem:$0x18D30] =	vst v63  }
0x27: {  	p0 =	sne.s32 s18, $0x4D8;
	_ =	swait.ge [sflag:s12], $0x50  }
0x28: {  	[sflag:s12] =	ssyncset.done $0x0  }
0x29: {  	[sflag:s12] =	ssyncadd.s32 $0xFFFFFFB0  }
0x2a: {  	[tilespmem:s14], [sflag:$0x1] =	stream.indirect.gather [hbm4b:s4+s13], $0x90, s3, s13, $0xb8;
	[tilespmem:$0x18D30] =	vst v63  }
0x2b: {  	_ =	swait.ge [sflag:s15], $0x2D00  }
0x2c: {  	[sflag:s15] =	ssyncset.done $0x0  }
0x2d: {  	s18 =	sadd.s32 s17, s9;
	s17 =	smov.u32 s20;
	[sflag:s15] =	ssyncadd.s32 $0xFFFFD300  }
0x2e: {  	[tilespmem:s13], [sflag:$0x2] =	stream.linear.gather [hbm4b:s18+s3], $0x50, $0x38;
	[tilespmem:$0x18D30] =	vst v63  }
0x2f: {  	_ =	swait.ge [sflag:s12], $0x50  }
.Ltmp0:
0x30: {  	[sflag:s12] =	ssyncset.done $0x0;
	(pc) =	sbr.rel @p0 .LBB2_2-.Ltmp0, $4  }
0x31: {  	[sflag:s12] =	ssyncadd.s32 $0xFFFFFFB0  }
0x32: {  	[spmem:s2] =	stream.indirect.scatter.add.f32 [tilespmem:s14], [sflag:$0x2], $0x90, s13, s13, $0xb8;
	[tilespmem:$0x18D30] =	vst v63  }
0x33: {  	_ =	swait.ge [sflag:s12], $0x2D00  }
0x34: {  	s18 =	smov.u32 s21;
	[sflag:s12] =	ssyncset.done $0x0  }
0x35: {  	s18 =	sadd.s32 s17, s10;
	[sflag:s12] =	ssyncadd.s32 $0xFFFFD300  }
0x36: {  	[tilespmem:s3], [sflag:$0x2] =	stream.linear.gather [hbm4b:s18+s3], $0x50, $0x38;
	[tilespmem:$0x18D30] =	vst v63  }
0x37: {  	_ =	swait.ge [sflag:s12], $0x50  }
0x38: {  	[sflag:s12] =	ssyncset.done $0x0  }
0x39: {  	[sflag:s12] =	ssyncadd.s32 $0xFFFFFFB0  }
0x3a: {  	[tilespmem:s14], [sflag:$0x1] =	stream.indirect.gather [hbm4b:s4+s13], $0x90, s3, s13, $0xb8;
	[tilespmem:$0x18D30] =	vst v63  }
0x3b: {  	_ =	swait.ge [sflag:s15], $0x2D00  }
0x3c: {  	[sflag:s15] =	ssyncset.done $0x0  }
0x3d: {  	s31 =	sadd.s32 s17, s9;
	[sflag:s15] =	ssyncadd.s32 $0xFFFFD300  }
0x3e: {  	[tilespmem:s13], [sflag:$0x2] =	stream.linear.gather [hbm4b:s31+s3], $0x50, $0x38;
	[tilespmem:$0x18D30] =	vst v63  }
0x3f: {  	_ =	swait.ge [sflag:s12], $0x50  }
0x40: {  	[sflag:s12] =	ssyncset.done $0x0  }
0x41: {  	[sflag:s12] =	ssyncadd.s32 $0xFFFFFFB0  }
0x42: {  	[spmem:s2] =	stream.indirect.scatter.add.f32 [tilespmem:s14], [sflag:$0x2], $0x90, s13, s13, $0xb8;
	[tilespmem:$0x18D30] =	vst v63  }
0x43: {  	_ =	swait.ge [sflag:s12], $0x2D00  }
0x44: {  	s16 =	sadd.s32 $0x1, s16;
	[sflag:s12] =	ssyncset.done $0x0  }
0x45: {  	p0 =	sne.s32 s16, s8;
	[sflag:s12] =	ssyncadd.s32 $0xFFFFD300  }
.Ltmp1:
0x46: {  	[bflag:$0x0] =	sbarrier.arrive $0xFFFF;
	(pc) =	sbr.rel @p0 .LBB2_1-.Ltmp1, $4  }
0x47: {  	[hbm:s7], [sflag:s6] =	dma.local [spmem:s11], $0x2BF2  }
0x48: {  	_ =	swait.ge [sflag:s12], $0x2BF2  }
0x49: {  	[sflag:s12] =	ssyncset.done $0x0  }
0x4a: {  	[sflag:s12] =	ssyncadd.s32 $0xFFFFD40E  }
0x4b: {  	_ =	sfence.sel $0x180000  }
0x4c: {  	[bflag:$0x0] =	sbarrier.arrive $0xFFFF  }
0x4d: {  	p0 =	sne.s32 s0, $0x0;
	_ =	strace $0x90000047  }
0x4e: {  	s0 =	sadd.s32 @!p0 $0x100000, s1;
	[bflag:$0x2] =	sbarrier.arrive $0xFFFF  }
0x4f: {  	[sflag:s0] =	ssyncadd.tile.s32 @!p0 $0x1;
	_ =	shalt  }
.Lfunc_end2:
_tile_overlayer_lowered:
.L_overlay_start_2:
0x50: {  	(tag) =	ssettag $0x2  }
0x51: {  	s0 =	rddreg [dreg:$0x0];
	s2 =	stileid.u32  }
0x52: {  	s1 =	rddreg [dreg:$0x1];
	p0 =	sne.s32 s2, $0x0  }
0x53: {  	s3 =	rddreg [dreg:$0x2];
	[bflag:$0x3] =	sbarrier.arrive $0xFFFF;
	s2 =	simm.s32 @!p0 $0x1C02  }
0x54: {  	[timem:s3], [sflag:s2] =	dma.local @!p0 [hbm:s0], s1  }
0x55: {  	s0 =	simm.s32 @!p0 $0x2  }
0x56: {  	_ =	swait.ge @!p0 [sflag:s0], s1  }
0x57: {  	s1 =	ssub.s32 @!p0 $0x0, s1;
	[sflag:s0] =	ssyncset.done @!p0 $0x0  }
0x58: {  	[sflag:s0] =	ssyncadd.s32 @!p0 s1  }
0x59: {  	[bflag:$0x3] =	sbarrier.arrive $0xFFFF  }
0x5a: {  	_ =	shalt  }

</sc_bundles>
